<compile_context>
chip_gen: v7x
topology: tpu7x:2x2x1
jax: 0.10.2.dev20260603
libtpu: 0.0.44.dev20260713+nightly
codegen_flags: <defaults>
</compile_context>

<pallas_src>
import functools

import jax
import jax.numpy as jnp
from jax import lax
from jax.experimental import pallas as pl
from jax.experimental.pallas import tpu as pltpu
from jax.experimental.pallas import tpu_sc as plsc

_K = 1000000
_N = 16384

_NW = 32
_PW = _N // _NW
_TAIL = _K - _N
_TW = 30744
_TLAST = _TAIL - (_NW - 1) * _TW

_BR = 8192
_PB = _N // _BR



def _sc_enqueue(ids32, ones32, qids, valid32, outi, outv, bi, bv, pbi, pbv):
    wid = lax.axis_index("s") * 2 + lax.axis_index("c")

    p0 = pl.multiple_of(_PW * wid, 8)
    pltpu.sync_copy(ids32.at[pl.ds(p0, _PW)], pbi)
    pltpu.sync_copy(pbi, outi.at[pl.ds(p0, _PW)])
    pltpu.sync_copy(ones32.at[pl.ds(p0, _PW)], pbv)
    pltpu.sync_copy(pbv, outv.at[pl.ds(p0, _PW)])

    t0 = pl.multiple_of(_N + _TW * wid, 8)

    @pl.when(wid < _NW - 1)
    def _():
        pltpu.sync_copy(qids.at[pl.ds(t0, _TW)], bi.at[pl.ds(0, _TW)])
        pltpu.sync_copy(bi.at[pl.ds(0, _TW)], outi.at[pl.ds(t0, _TW)])
        pltpu.sync_copy(valid32.at[pl.ds(t0, _TW)], bv.at[pl.ds(0, _TW)])
        pltpu.sync_copy(bv.at[pl.ds(0, _TW)], outv.at[pl.ds(t0, _TW)])

    @pl.when(wid == _NW - 1)
    def _():
        pltpu.sync_copy(qids.at[pl.ds(t0, _TLAST)], bi.at[pl.ds(0, _TLAST)])
        pltpu.sync_copy(bi.at[pl.ds(0, _TLAST)], outi.at[pl.ds(t0, _TLAST)])
        pltpu.sync_copy(valid32.at[pl.ds(t0, _TLAST)], bv.at[pl.ds(0, _TLAST)])
        pltpu.sync_copy(bv.at[pl.ds(0, _TLAST)], outv.at[pl.ds(t0, _TLAST)])


_sc_call = functools.partial(
    pl.kernel,
    mesh=plsc.VectorSubcoreMesh(core_axis_name="c", subcore_axis_name="s"),
    out_type=[
        jax.ShapeDtypeStruct((_K,), jnp.int32),
        jax.ShapeDtypeStruct((_K,), jnp.int32),
    ],
    scratch_types=[
        pltpu.VMEM((_TW,), jnp.int32),
        pltpu.VMEM((_TW,), jnp.int32),
        pltpu.VMEM((_PW,), jnp.int32),
        pltpu.VMEM((_PW,), jnp.int32),
    ],
)(_sc_enqueue)



def _tc_scatter(vecs_ref, queue_ref, outq_ref):
    del queue_ref
    outq_ref[...] = vecs_ref[...]


def kernel(vecs, ids, queue, queue_ids, valid):
    n, d = vecs.shape
    k = queue.shape[0]
    ids32 = ids.astype(jnp.int32)
    ones32 = jnp.ones((n,), jnp.int32)
    valid32 = valid.astype(jnp.int32)

    new_i, new_v32 = _sc_call(ids32, ones32, queue_ids, valid32)

    def ident(i):
        return (i, 0)

    new_q = pl.pallas_call(
        _tc_scatter,
        grid=(_PB,),
        in_specs=[
            pl.BlockSpec((_BR, d), ident),
            pl.BlockSpec((_BR, d), ident),
        ],
        out_specs=pl.BlockSpec((_BR, d), ident),
        out_shape=jax.ShapeDtypeStruct((k, d), queue.dtype),
        input_output_aliases={1: 0},
    )(vecs.astype(queue.dtype), queue)

    return (new_q, new_i.astype(queue_ids.dtype), new_v32.astype(valid.dtype))

# --- scband reference (transcript-rebuilt; emitter-appended) ---
"""Pipeline reference for scband-mo-co-queue-9826885173909 (READ-ONLY COPY).

The authoritative reference and input builder live on the scoring server;
editing this copy changes nothing except your own understanding.
"""

import jax, jax.numpy as jnp
import numpy as np

DIM = 64
K = 1000000
N = 16384
PTR = 0

def setup_inputs(seed: int = 0) -> dict:
    key = jax.random.key(seed)
    k1, k2 = jax.random.split(key)
    vecs = jax.random.normal(k1, (N, DIM), dtype=jnp.float32)
    ids = jax.random.randint(k2, (N,), 0, K, dtype=jnp.int64) if jax.config.jax_enable_x64 else jax.random.randint(k2, (N,), 0, K, dtype=jnp.int32)
    # buffers (module state) sized per init_kwargs
    queue = jnp.zeros((K, DIM), dtype=jnp.float32)
    queue_ids = jnp.full((K,), -1, dtype=ids.dtype)
    valid = jnp.zeros((K,), dtype=jnp.bool_)
    return {"vecs": vecs, "ids": ids, "queue": queue, "queue_ids": queue_ids, "valid": valid}

def reference(vecs, ids, queue, queue_ids, valid):
    # MoCoQueue.enqueue: FIFO ring-buffer scatter-overwrite
    n = vecs.shape[0]
    Kq = queue.shape[0]
    idx = (jnp.arange(n, dtype=jnp.int32) + PTR) % Kq
    new_queue = queue.at[idx].set(vecs.astype(queue.dtype))
    new_ids = queue_ids.at[idx].set(ids.astype(queue_ids.dtype))
    new_valid = valid.at[idx].set(True)
    # get_all_neg returns queue rows where valid; fixed-shape equivalent: masked queue state
    return (new_queue, new_ids, new_valid)

if __name__ == "__main__":
    import jax
    _d = setup_inputs()
    print(jax.jit(kernel)(*tuple(_d.values())))

</pallas_src>

<mosaic_0001>
#map = affine_map<(d0, d1) -> (0)>
module attributes {stable_mosaic.version = 14 : i64} {
  func.func @_sc_enqueue(%arg0: i32, %arg1: i32, %arg2: memref<16384xi32, #tpu.memory_space<hbm>>, %arg3: memref<16384xi32, #tpu.memory_space<hbm>>, %arg4: memref<1000000xi32, #tpu.memory_space<hbm>>, %arg5: memref<1000000xi32, #tpu.memory_space<hbm>>, %arg6: memref<1000000xi32, #tpu.memory_space<hbm>>, %arg7: memref<1000000xi32, #tpu.memory_space<hbm>>, %arg8: memref<30744xi32, #tpu.memory_space<vmem>>, %arg9: memref<30744xi32, #tpu.memory_space<vmem>>, %arg10: memref<512xi32, #tpu.memory_space<vmem>>, %arg11: memref<512xi32, #tpu.memory_space<vmem>>) attributes {dimension_semantics = [#tpu.dimension_semantics<core_parallel>, #tpu.dimension_semantics<subcore_parallel>], iteration_bounds = array<i64: 2, 16>, scalar_prefetch = 0 : i64, scratch_operands = 4 : i64, tpu.core_type = #tpu.core_type<sc_vector_subcore>, window_params = [{transform_indices = #map}, {transform_indices = #map}, {transform_indices = #map}, {transform_indices = #map}, {transform_indices = #map}, {transform_indices = #map}]} {
    %mul3A = arith.constant 2 : i32
    %mul3A_0 = arith.muli %arg1, %mul3A : i32
    %add3A = arith.addi %mul3A_0, %arg0 : i32
    %mul3A_1 = arith.constant 512 : i32
    %mul3A_2 = arith.muli %mul3A_1, %add3A : i32
    %multiple_of3A = tpu.assume_multiple %mul3A_2, 8 : i32
    "tpu.region"() ({
      %run_scoped3A = tpu.sem_alloc : memref<!tpu.dma_semaphore, #tpu.memory_space<semaphore_mem>>
      %dma_start3A = tpu.memref_slice %arg2[%multiple_of3A] : memref<16384xi32, #tpu.memory_space<hbm>> -> memref<512xi32, #tpu.memory_space<hbm>>
      %dma_start3A_14 = tpu.memref_slice %arg2[%multiple_of3A] : memref<16384xi32, #tpu.memory_space<hbm>> -> memref<512xi32, #tpu.memory_space<hbm>>
      tpu.enqueue_dma source(%dma_start3A_14 : memref<512xi32, #tpu.memory_space<hbm>>) target(%arg10 : memref<512xi32, #tpu.memory_space<vmem>>) target_semaphore(%run_scoped3A : memref<!tpu.dma_semaphore, #tpu.memory_space<semaphore_mem>>)
      %dma_wait3A = tpu.memref_slice %arg2[%multiple_of3A] : memref<16384xi32, #tpu.memory_space<hbm>> -> memref<512xi32, #tpu.memory_space<hbm>>
      %dma_wait3A_15 = tpu.memref_slice %arg2[%multiple_of3A] : memref<16384xi32, #tpu.memory_space<hbm>> -> memref<512xi32, #tpu.memory_space<hbm>>
      tpu.wait_dma2 semaphore(%run_scoped3A : memref<!tpu.dma_semaphore, #tpu.memory_space<semaphore_mem>>) src(%dma_wait3A_15 : memref<512xi32, #tpu.memory_space<hbm>>) dst(%arg10 : memref<512xi32, #tpu.memory_space<vmem>>)
      tpu.yield
    }) : () -> ()
    "tpu.region"() ({
      %run_scoped3A = tpu.sem_alloc : memref<!tpu.dma_semaphore, #tpu.memory_space<semaphore_mem>>
      %dma_start3A = tpu.memref_slice %arg6[%multiple_of3A] : memref<1000000xi32, #tpu.memory_space<hbm>> -> memref<512xi32, #tpu.memory_space<hbm>>
      %dma_start3A_14 = tpu.memref_slice %arg6[%multiple_of3A] : memref<1000000xi32, #tpu.memory_space<hbm>> -> memref<512xi32, #tpu.memory_space<hbm>>
      tpu.enqueue_dma source(%arg10 : memref<512xi32, #tpu.memory_space<vmem>>) target(%dma_start3A_14 : memref<512xi32, #tpu.memory_space<hbm>>) target_semaphore(%run_scoped3A : memref<!tpu.dma_semaphore, #tpu.memory_space<semaphore_mem>>)
      %dma_wait3A = tpu.memref_slice %arg6[%multiple_of3A] : memref<1000000xi32, #tpu.memory_space<hbm>> -> memref<512xi32, #tpu.memory_space<hbm>>
      %dma_wait3A_15 = tpu.memref_slice %arg6[%multiple_of3A] : memref<1000000xi32, #tpu.memory_space<hbm>> -> memref<512xi32, #tpu.memory_space<hbm>>
      tpu.wait_dma2 semaphore(%run_scoped3A : memref<!tpu.dma_semaphore, #tpu.memory_space<semaphore_mem>>) src(%arg10 : memref<512xi32, #tpu.memory_space<vmem>>) dst(%dma_wait3A_15 : memref<512xi32, #tpu.memory_space<hbm>>)
      tpu.yield
    }) : () -> ()
    "tpu.region"() ({
      %run_scoped3A = tpu.sem_alloc : memref<!tpu.dma_semaphore, #tpu.memory_space<semaphore_mem>>
      %dma_start3A = tpu.memref_slice %arg3[%multiple_of3A] : memref<16384xi32, #tpu.memory_space<hbm>> -> memref<512xi32, #tpu.memory_space<hbm>>
      %dma_start3A_14 = tpu.memref_slice %arg3[%multiple_of3A] : memref<16384xi32, #tpu.memory_space<hbm>> -> memref<512xi32, #tpu.memory_space<hbm>>
      tpu.enqueue_dma source(%dma_start3A_14 : memref<512xi32, #tpu.memory_space<hbm>>) target(%arg11 : memref<512xi32, #tpu.memory_space<vmem>>) target_semaphore(%run_scoped3A : memref<!tpu.dma_semaphore, #tpu.memory_space<semaphore_mem>>)
      %dma_wait3A = tpu.memref_slice %arg3[%multiple_of3A] : memref<16384xi32, #tpu.memory_space<hbm>> -> memref<512xi32, #tpu.memory_space<hbm>>
      %dma_wait3A_15 = tpu.memref_slice %arg3[%multiple_of3A] : memref<16384xi32, #tpu.memory_space<hbm>> -> memref<512xi32, #tpu.memory_space<hbm>>
      tpu.wait_dma2 semaphore(%run_scoped3A : memref<!tpu.dma_semaphore, #tpu.memory_space<semaphore_mem>>) src(%dma_wait3A_15 : memref<512xi32, #tpu.memory_space<hbm>>) dst(%arg11 : memref<512xi32, #tpu.memory_space<vmem>>)
      tpu.yield
    }) : () -> ()
    "tpu.region"() ({
      %run_scoped3A = tpu.sem_alloc : memref<!tpu.dma_semaphore, #tpu.memory_space<semaphore_mem>>
      %dma_start3A = tpu.memref_slice %arg7[%multiple_of3A] : memref<1000000xi32, #tpu.memory_space<hbm>> -> memref<512xi32, #tpu.memory_space<hbm>>
      %dma_start3A_14 = tpu.memref_slice %arg7[%multiple_of3A] : memref<1000000xi32, #tpu.memory_space<hbm>> -> memref<512xi32, #tpu.memory_space<hbm>>
      tpu.enqueue_dma source(%arg11 : memref<512xi32, #tpu.memory_space<vmem>>) target(%dma_start3A_14 : memref<512xi32, #tpu.memory_space<hbm>>) target_semaphore(%run_scoped3A : memref<!tpu.dma_semaphore, #tpu.memory_space<semaphore_mem>>)
      %dma_wait3A = tpu.memref_slice %arg7[%multiple_of3A] : memref<1000000xi32, #tpu.memory_space<hbm>> -> memref<512xi32, #tpu.memory_space<hbm>>
      %dma_wait3A_15 = tpu.memref_slice %arg7[%multiple_of3A] : memref<1000000xi32, #tpu.memory_space<hbm>> -> memref<512xi32, #tpu.memory_space<hbm>>
      tpu.wait_dma2 semaphore(%run_scoped3A : memref<!tpu.dma_semaphore, #tpu.memory_space<semaphore_mem>>) src(%arg11 : memref<512xi32, #tpu.memory_space<vmem>>) dst(%dma_wait3A_15 : memref<512xi32, #tpu.memory_space<hbm>>)
      tpu.yield
    }) : () -> ()
    %mul3A_3 = arith.constant 30744 : i32
    %mul3A_4 = arith.muli %mul3A_3, %add3A : i32
    %add3A_5 = arith.constant 16384 : i32
    %add3A_6 = arith.addi %add3A_5, %mul3A_4 : i32
    %multiple_of3A_7 = tpu.assume_multiple %add3A_6, 8 : i32
    %lt3A = arith.constant 31 : i32
    %lt3A_8 = arith.cmpi slt, %add3A, %lt3A : i32
    %convert_element_type3A = arith.extui %lt3A_8 : i1 to i32
    %cond3A = arith.constant 0 : i32
    %cond3A_9 = arith.cmpi ne, %convert_element_type3A, %cond3A : i32
    scf.if %cond3A_9 {
      "tpu.region"() ({
        %run_scoped3A = tpu.sem_alloc : memref<!tpu.dma_semaphore, #tpu.memory_space<semaphore_mem>>
        %dma_start3A = arith.constant 0 : i32
        %dma_start3A_14 = tpu.memref_slice %arg8[%dma_start3A] : memref<30744xi32, #tpu.memory_space<vmem>> -> memref<30744xi32, #tpu.memory_space<vmem>>
        %dma_start3A_15 = tpu.memref_slice %arg4[%multiple_of3A_7] : memref<1000000xi32, #tpu.memory_space<hbm>> -> memref<30744xi32, #tpu.memory_space<hbm>>
        %dma_start3A_16 = arith.constant 0 : i32
        %dma_start3A_17 = tpu.memref_slice %arg8[%dma_start3A_16] : memref<30744xi32, #tpu.memory_space<vmem>> -> memref<30744xi32, #tpu.memory_space<vmem>>
        %dma_start3A_18 = tpu.memref_slice %arg4[%multiple_of3A_7] : memref<1000000xi32, #tpu.memory_space<hbm>> -> memref<30744xi32, #tpu.memory_space<hbm>>
        tpu.enqueue_dma source(%dma_start3A_18 : memref<30744xi32, #tpu.memory_space<hbm>>) target(%dma_start3A_17 : memref<30744xi32, #tpu.memory_space<vmem>>) target_semaphore(%run_scoped3A : memref<!tpu.dma_semaphore, #tpu.memory_space<semaphore_mem>>)
        %dma_wait3A = arith.constant 0 : i32
        %dma_wait3A_19 = tpu.memref_slice %arg8[%dma_wait3A] : memref<30744xi32, #tpu.memory_space<vmem>> -> memref<30744xi32, #tpu.memory_space<vmem>>
        %dma_wait3A_20 = tpu.memref_slice %arg4[%multiple_of3A_7] : memref<1000000xi32, #tpu.memory_space<hbm>> -> memref<30744xi32, #tpu.memory_space<hbm>>
        %dma_wait3A_21 = arith.constant 0 : i32
        %dma_wait3A_22 = tpu.memref_slice %arg8[%dma_wait3A_21] : memref<30744xi32, #tpu.memory_space<vmem>> -> memref<30744xi32, #tpu.memory_space<vmem>>
        %dma_wait3A_23 = tpu.memref_slice %arg4[%multiple_of3A_7] : memref<1000000xi32, #tpu.memory_space<hbm>> -> memref<30744xi32, #tpu.memory_space<hbm>>
        tpu.wait_dma2 semaphore(%run_scoped3A : memref<!tpu.dma_semaphore, #tpu.memory_space<semaphore_mem>>) src(%dma_wait3A_23 : memref<30744xi32, #tpu.memory_space<hbm>>) dst(%dma_wait3A_22 : memref<30744xi32, #tpu.memory_space<vmem>>)
        tpu.yield
      }) : () -> ()
      "tpu.region"() ({
        %run_scoped3A = tpu.sem_alloc : memref<!tpu.dma_semaphore, #tpu.memory_space<semaphore_mem>>
        %dma_start3A = arith.constant 0 : i32
        %dma_start3A_14 = tpu.memref_slice %arg8[%dma_start3A] : memref<30744xi32, #tpu.memory_space<vmem>> -> memref<30744xi32, #tpu.memory_space<vmem>>
        %dma_start3A_15 = tpu.memref_slice %arg6[%multiple_of3A_7] : memref<1000000xi32, #tpu.memory_space<hbm>> -> memref<30744xi32, #tpu.memory_space<hbm>>
        %dma_start3A_16 = tpu.memref_slice %arg6[%multiple_of3A_7] : memref<1000000xi32, #tpu.memory_space<hbm>> -> memref<30744xi32, #tpu.memory_space<hbm>>
        %dma_start3A_17 = arith.constant 0 : i32
        %dma_start3A_18 = tpu.memref_slice %arg8[%dma_start3A_17] : memref<30744xi32, #tpu.memory_space<vmem>> -> memref<30744xi32, #tpu.memory_space<vmem>>
        tpu.enqueue_dma source(%dma_start3A_18 : memref<30744xi32, #tpu.memory_space<vmem>>) target(%dma_start3A_16 : memref<30744xi32, #tpu.memory_space<hbm>>) target_semaphore(%run_scoped3A : memref<!tpu.dma_semaphore, #tpu.memory_space<semaphore_mem>>)
        %dma_wait3A = arith.constant 0 : i32
        %dma_wait3A_19 = tpu.memref_slice %arg8[%dma_wait3A] : memref<30744xi32, #tpu.memory_space<vmem>> -> memref<30744xi32, #tpu.memory_space<vmem>>
        %dma_wait3A_20 = tpu.memref_slice %arg6[%multiple_of3A_7] : memref<1000000xi32, #tpu.memory_space<hbm>> -> memref<30744xi32, #tpu.memory_space<hbm>>
        %dma_wait3A_21 = tpu.memref_slice %arg6[%multiple_of3A_7] : memref<1000000xi32, #tpu.memory_space<hbm>> -> memref<30744xi32, #tpu.memory_space<hbm>>
        %dma_wait3A_22 = arith.constant 0 : i32
        %dma_wait3A_23 = tpu.memref_slice %arg8[%dma_wait3A_22] : memref<30744xi32, #tpu.memory_space<vmem>> -> memref<30744xi32, #tpu.memory_space<vmem>>
        tpu.wait_dma2 semaphore(%run_scoped3A : memref<!tpu.dma_semaphore, #tpu.memory_space<semaphore_mem>>) src(%dma_wait3A_23 : memref<30744xi32, #tpu.memory_space<vmem>>) dst(%dma_wait3A_21 : memref<30744xi32, #tpu.memory_space<hbm>>)
        tpu.yield
      }) : () -> ()
      "tpu.region"() ({
        %run_scoped3A = tpu.sem_alloc : memref<!tpu.dma_semaphore, #tpu.memory_space<semaphore_mem>>
        %dma_start3A = arith.constant 0 : i32
        %dma_start3A_14 = tpu.memref_slice %arg9[%dma_start3A] : memref<30744xi32, #tpu.memory_space<vmem>> -> memref<30744xi32, #tpu.memory_space<vmem>>
        %dma_start3A_15 = tpu.memref_slice %arg5[%multiple_of3A_7] : memref<1000000xi32, #tpu.memory_space<hbm>> -> memref<30744xi32, #tpu.memory_space<hbm>>
        %dma_start3A_16 = arith.constant 0 : i32
        %dma_start3A_17 = tpu.memref_slice %arg9[%dma_start3A_16] : memref<30744xi32, #tpu.memory_space<vmem>> -> memref<30744xi32, #tpu.memory_space<vmem>>
        %dma_start3A_18 = tpu.memref_slice %arg5[%multiple_of3A_7] : memref<1000000xi32, #tpu.memory_space<hbm>> -> memref<30744xi32, #tpu.memory_space<hbm>>
        tpu.enqueue_dma source(%dma_start3A_18 : memref<30744xi32, #tpu.memory_space<hbm>>) target(%dma_start3A_17 : memref<30744xi32, #tpu.memory_space<vmem>>) target_semaphore(%run_scoped3A : memref<!tpu.dma_semaphore, #tpu.memory_space<semaphore_mem>>)
        %dma_wait3A = arith.constant 0 : i32
        %dma_wait3A_19 = tpu.memref_slice %arg9[%dma_wait3A] : memref<30744xi32, #tpu.memory_space<vmem>> -> memref<30744xi32, #tpu.memory_space<vmem>>
        %dma_wait3A_20 = tpu.memref_slice %arg5[%multiple_of3A_7] : memref<1000000xi32, #tpu.memory_space<hbm>> -> memref<30744xi32, #tpu.memory_space<hbm>>
        %dma_wait3A_21 = arith.constant 0 : i32
        %dma_wait3A_22 = tpu.memref_slice %arg9[%dma_wait3A_21] : memref<30744xi32, #tpu.memory_space<vmem>> -> memref<30744xi32, #tpu.memory_space<vmem>>
        %dma_wait3A_23 = tpu.memref_slice %arg5[%multiple_of3A_7] : memref<1000000xi32, #tpu.memory_space<hbm>> -> memref<30744xi32, #tpu.memory_space<hbm>>
        tpu.wait_dma2 semaphore(%run_scoped3A : memref<!tpu.dma_semaphore, #tpu.memory_space<semaphore_mem>>) src(%dma_wait3A_23 : memref<30744xi32, #tpu.memory_space<hbm>>) dst(%dma_wait3A_22 : memref<30744xi32, #tpu.memory_space<vmem>>)
        tpu.yield
      }) : () -> ()
      "tpu.region"() ({
        %run_scoped3A = tpu.sem_alloc : memref<!tpu.dma_semaphore, #tpu.memory_space<semaphore_mem>>
        %dma_start3A = arith.constant 0 : i32
        %dma_start3A_14 = tpu.memref_slice %arg9[%dma_start3A] : memref<30744xi32, #tpu.memory_space<vmem>> -> memref<30744xi32, #tpu.memory_space<vmem>>
        %dma_start3A_15 = tpu.memref_slice %arg7[%multiple_of3A_7] : memref<1000000xi32, #tpu.memory_space<hbm>> -> memref<30744xi32, #tpu.memory_space<hbm>>
        %dma_start3A_16 = tpu.memref_slice %arg7[%multiple_of3A_7] : memref<1000000xi32, #tpu.memory_space<hbm>> -> memref<30744xi32, #tpu.memory_space<hbm>>
        %dma_start3A_17 = arith.constant 0 : i32
        %dma_start3A_18 = tpu.memref_slice %arg9[%dma_start3A_17] : memref<30744xi32, #tpu.memory_space<vmem>> -> memref<30744xi32, #tpu.memory_space<vmem>>
        tpu.enqueue_dma source(%dma_start3A_18 : memref<30744xi32, #tpu.memory_space<vmem>>) target(%dma_start3A_16 : memref<30744xi32, #tpu.memory_space<hbm>>) target_semaphore(%run_scoped3A : memref<!tpu.dma_semaphore, #tpu.memory_space<semaphore_mem>>)
        %dma_wait3A = arith.constant 0 : i32
        %dma_wait3A_19 = tpu.memref_slice %arg9[%dma_wait3A] : memref<30744xi32, #tpu.memory_space<vmem>> -> memref<30744xi32, #tpu.memory_space<vmem>>
        %dma_wait3A_20 = tpu.memref_slice %arg7[%multiple_of3A_7] : memref<1000000xi32, #tpu.memory_space<hbm>> -> memref<30744xi32, #tpu.memory_space<hbm>>
        %dma_wait3A_21 = tpu.memref_slice %arg7[%multiple_of3A_7] : memref<1000000xi32, #tpu.memory_space<hbm>> -> memref<30744xi32, #tpu.memory_space<hbm>>
        %dma_wait3A_22 = arith.constant 0 : i32
        %dma_wait3A_23 = tpu.memref_slice %arg9[%dma_wait3A_22] : memref<30744xi32, #tpu.memory_space<vmem>> -> memref<30744xi32, #tpu.memory_space<vmem>>
        tpu.wait_dma2 semaphore(%run_scoped3A : memref<!tpu.dma_semaphore, #tpu.memory_space<semaphore_mem>>) src(%dma_wait3A_23 : memref<30744xi32, #tpu.memory_space<vmem>>) dst(%dma_wait3A_21 : memref<30744xi32, #tpu.memory_space<hbm>>)
        tpu.yield
      }) : () -> ()
    } else {
    }
    %eq3A = arith.constant 31 : i32
    %eq3A_10 = arith.cmpi eq, %add3A, %eq3A : i32
    %convert_element_type3A_11 = arith.extui %eq3A_10 : i1 to i32
    %cond3A_12 = arith.constant 0 : i32
    %cond3A_13 = arith.cmpi ne, %convert_element_type3A_11, %cond3A_12 : i32
    scf.if %cond3A_13 {
      "tpu.region"() ({
        %run_scoped3A = tpu.sem_alloc : memref<!tpu.dma_semaphore, #tpu.memory_space<semaphore_mem>>
        %dma_start3A = arith.constant 0 : i32
        %dma_start3A_14 = tpu.memref_slice %arg8[%dma_start3A] : memref<30744xi32, #tpu.memory_space<vmem>> -> memref<30552xi32, #tpu.memory_space<vmem>>
        %dma_start3A_15 = tpu.memref_slice %arg4[%multiple_of3A_7] : memref<1000000xi32, #tpu.memory_space<hbm>> -> memref<30552xi32, #tpu.memory_space<hbm>>
        %dma_start3A_16 = arith.constant 0 : i32
        %dma_start3A_17 = tpu.memref_slice %arg8[%dma_start3A_16] : memref<30744xi32, #tpu.memory_space<vmem>> -> memref<30552xi32, #tpu.memory_space<vmem>>
        %dma_start3A_18 = tpu.memref_slice %arg4[%multiple_of3A_7] : memref<1000000xi32, #tpu.memory_space<hbm>> -> memref<30552xi32, #tpu.memory_space<hbm>>
        tpu.enqueue_dma source(%dma_start3A_18 : memref<30552xi32, #tpu.memory_space<hbm>>) target(%dma_start3A_17 : memref<30552xi32, #tpu.memory_space<vmem>>) target_semaphore(%run_scoped3A : memref<!tpu.dma_semaphore, #tpu.memory_space<semaphore_mem>>)
        %dma_wait3A = arith.constant 0 : i32
        %dma_wait3A_19 = tpu.memref_slice %arg8[%dma_wait3A] : memref<30744xi32, #tpu.memory_space<vmem>> -> memref<30552xi32, #tpu.memory_space<vmem>>
        %dma_wait3A_20 = tpu.memref_slice %arg4[%multiple_of3A_7] : memref<1000000xi32, #tpu.memory_space<hbm>> -> memref<30552xi32, #tpu.memory_space<hbm>>
        %dma_wait3A_21 = arith.constant 0 : i32
        %dma_wait3A_22 = tpu.memref_slice %arg8[%dma_wait3A_21] : memref<30744xi32, #tpu.memory_space<vmem>> -> memref<30552xi32, #tpu.memory_space<vmem>>
        %dma_wait3A_23 = tpu.memref_slice %arg4[%multiple_of3A_7] : memref<1000000xi32, #tpu.memory_space<hbm>> -> memref<30552xi32, #tpu.memory_space<hbm>>
        tpu.wait_dma2 semaphore(%run_scoped3A : memref<!tpu.dma_semaphore, #tpu.memory_space<semaphore_mem>>) src(%dma_wait3A_23 : memref<30552xi32, #tpu.memory_space<hbm>>) dst(%dma_wait3A_22 : memref<30552xi32, #tpu.memory_space<vmem>>)
        tpu.yield
      }) : () -> ()
      "tpu.region"() ({
        %run_scoped3A = tpu.sem_alloc : memref<!tpu.dma_semaphore, #tpu.memory_space<semaphore_mem>>
        %dma_start3A = arith.constant 0 : i32
        %dma_start3A_14 = tpu.memref_slice %arg8[%dma_start3A] : memref<30744xi32, #tpu.memory_space<vmem>> -> memref<30552xi32, #tpu.memory_space<vmem>>
        %dma_start3A_15 = tpu.memref_slice %arg6[%multiple_of3A_7] : memref<1000000xi32, #tpu.memory_space<hbm>> -> memref<30552xi32, #tpu.memory_space<hbm>>
        %dma_start3A_16 = tpu.memref_slice %arg6[%multiple_of3A_7] : memref<1000000xi32, #tpu.memory_space<hbm>> -> memref<30552xi32, #tpu.memory_space<hbm>>
        %dma_start3A_17 = arith.constant 0 : i32
        %dma_start3A_18 = tpu.memref_slice %arg8[%dma_start3A_17] : memref<30744xi32, #tpu.memory_space<vmem>> -> memref<30552xi32, #tpu.memory_space<vmem>>
        tpu.enqueue_dma source(%dma_start3A_18 : memref<30552xi32, #tpu.memory_space<vmem>>) target(%dma_start3A_16 : memref<30552xi32, #tpu.memory_space<hbm>>) target_semaphore(%run_scoped3A : memref<!tpu.dma_semaphore, #tpu.memory_space<semaphore_mem>>)
        %dma_wait3A = arith.constant 0 : i32
        %dma_wait3A_19 = tpu.memref_slice %arg8[%dma_wait3A] : memref<30744xi32, #tpu.memory_space<vmem>> -> memref<30552xi32, #tpu.memory_space<vmem>>
        %dma_wait3A_20 = tpu.memref_slice %arg6[%multiple_of3A_7] : memref<1000000xi32, #tpu.memory_space<hbm>> -> memref<30552xi32, #tpu.memory_space<hbm>>
        %dma_wait3A_21 = tpu.memref_slice %arg6[%multiple_of3A_7] : memref<1000000xi32, #tpu.memory_space<hbm>> -> memref<30552xi32, #tpu.memory_space<hbm>>
        %dma_wait3A_22 = arith.constant 0 : i32
        %dma_wait3A_23 = tpu.memref_slice %arg8[%dma_wait3A_22] : memref<30744xi32, #tpu.memory_space<vmem>> -> memref<30552xi32, #tpu.memory_space<vmem>>
        tpu.wait_dma2 semaphore(%run_scoped3A : memref<!tpu.dma_semaphore, #tpu.memory_space<semaphore_mem>>) src(%dma_wait3A_23 : memref<30552xi32, #tpu.memory_space<vmem>>) dst(%dma_wait3A_21 : memref<30552xi32, #tpu.memory_space<hbm>>)
        tpu.yield
      }) : () -> ()
      "tpu.region"() ({
        %run_scoped3A = tpu.sem_alloc : memref<!tpu.dma_semaphore, #tpu.memory_space<semaphore_mem>>
        %dma_start3A = arith.constant 0 : i32
        %dma_start3A_14 = tpu.memref_slice %arg9[%dma_start3A] : memref<30744xi32, #tpu.memory_space<vmem>> -> memref<30552xi32, #tpu.memory_space<vmem>>
        %dma_start3A_15 = tpu.memref_slice %arg5[%multiple_of3A_7] : memref<1000000xi32, #tpu.memory_space<hbm>> -> memref<30552xi32, #tpu.memory_space<hbm>>
        %dma_start3A_16 = arith.constant 0 : i32
        %dma_start3A_17 = tpu.memref_slice %arg9[%dma_start3A_16] : memref<30744xi32, #tpu.memory_space<vmem>> -> memref<30552xi32, #tpu.memory_space<vmem>>
        %dma_start3A_18 = tpu.memref_slice %arg5[%multiple_of3A_7] : memref<1000000xi32, #tpu.memory_space<hbm>> -> memref<30552xi32, #tpu.memory_space<hbm>>
        tpu.enqueue_dma source(%dma_start3A_18 : memref<30552xi32, #tpu.memory_space<hbm>>) target(%dma_start3A_17 : memref<30552xi32, #tpu.memory_space<vmem>>) target_semaphore(%run_scoped3A : memref<!tpu.dma_semaphore, #tpu.memory_space<semaphore_mem>>)
        %dma_wait3A = arith.constant 0 : i32
        %dma_wait3A_19 = tpu.memref_slice %arg9[%dma_wait3A] : memref<30744xi32, #tpu.memory_space<vmem>> -> memref<30552xi32, #tpu.memory_space<vmem>>
        %dma_wait3A_20 = tpu.memref_slice %arg5[%multiple_of3A_7] : memref<1000000xi32, #tpu.memory_space<hbm>> -> memref<30552xi32, #tpu.memory_space<hbm>>
        %dma_wait3A_21 = arith.constant 0 : i32
        %dma_wait3A_22 = tpu.memref_slice %arg9[%dma_wait3A_21] : memref<30744xi32, #tpu.memory_space<vmem>> -> memref<30552xi32, #tpu.memory_space<vmem>>
        %dma_wait3A_23 = tpu.memref_slice %arg5[%multiple_of3A_7] : memref<1000000xi32, #tpu.memory_space<hbm>> -> memref<30552xi32, #tpu.memory_space<hbm>>
        tpu.wait_dma2 semaphore(%run_scoped3A : memref<!tpu.dma_semaphore, #tpu.memory_space<semaphore_mem>>) src(%dma_wait3A_23 : memref<30552xi32, #tpu.memory_space<hbm>>) dst(%dma_wait3A_22 : memref<30552xi32, #tpu.memory_space<vmem>>)
        tpu.yield
      }) : () -> ()
      "tpu.region"() ({
        %run_scoped3A = tpu.sem_alloc : memref<!tpu.dma_semaphore, #tpu.memory_space<semaphore_mem>>
        %dma_start3A = arith.constant 0 : i32
        %dma_start3A_14 = tpu.memref_slice %arg9[%dma_start3A] : memref<30744xi32, #tpu.memory_space<vmem>> -> memref<30552xi32, #tpu.memory_space<vmem>>
        %dma_start3A_15 = tpu.memref_slice %arg7[%multiple_of3A_7] : memref<1000000xi32, #tpu.memory_space<hbm>> -> memref<30552xi32, #tpu.memory_space<hbm>>
        %dma_start3A_16 = tpu.memref_slice %arg7[%multiple_of3A_7] : memref<1000000xi32, #tpu.memory_space<hbm>> -> memref<30552xi32, #tpu.memory_space<hbm>>
        %dma_start3A_17 = arith.constant 0 : i32
        %dma_start3A_18 = tpu.memref_slice %arg9[%dma_start3A_17] : memref<30744xi32, #tpu.memory_space<vmem>> -> memref<30552xi32, #tpu.memory_space<vmem>>
        tpu.enqueue_dma source(%dma_start3A_18 : memref<30552xi32, #tpu.memory_space<vmem>>) target(%dma_start3A_16 : memref<30552xi32, #tpu.memory_space<hbm>>) target_semaphore(%run_scoped3A : memref<!tpu.dma_semaphore, #tpu.memory_space<semaphore_mem>>)
        %dma_wait3A = arith.constant 0 : i32
        %dma_wait3A_19 = tpu.memref_slice %arg9[%dma_wait3A] : memref<30744xi32, #tpu.memory_space<vmem>> -> memref<30552xi32, #tpu.memory_space<vmem>>
        %dma_wait3A_20 = tpu.memref_slice %arg7[%multiple_of3A_7] : memref<1000000xi32, #tpu.memory_space<hbm>> -> memref<30552xi32, #tpu.memory_space<hbm>>
        %dma_wait3A_21 = tpu.memref_slice %arg7[%multiple_of3A_7] : memref<1000000xi32, #tpu.memory_space<hbm>> -> memref<30552xi32, #tpu.memory_space<hbm>>
        %dma_wait3A_22 = arith.constant 0 : i32
        %dma_wait3A_23 = tpu.memref_slice %arg9[%dma_wait3A_22] : memref<30744xi32, #tpu.memory_space<vmem>> -> memref<30552xi32, #tpu.memory_space<vmem>>
        tpu.wait_dma2 semaphore(%run_scoped3A : memref<!tpu.dma_semaphore, #tpu.memory_space<semaphore_mem>>) src(%dma_wait3A_23 : memref<30552xi32, #tpu.memory_space<vmem>>) dst(%dma_wait3A_21 : memref<30552xi32, #tpu.memory_space<hbm>>)
        tpu.yield
      }) : () -> ()
    } else {
    }
    return
  }
}

module attributes {stable_mosaic.version = 14 : i64} {
  func.func @_tc_scatter(%arg0: i32, %arg1: memref<8192x64xf32, #tpu.memory_space<vmem>>, %arg2: memref<8192x64xf32, #tpu.memory_space<vmem>>, %arg3: memref<8192x64xf32, #tpu.memory_space<vmem>>) attributes {dimension_semantics = [#tpu.dimension_semantics<arbitrary>], iteration_bounds = array<i64: 2>, scalar_prefetch = 0 : i64, scratch_operands = 0 : i64, tpu.core_type = #tpu.core_type<tc>, window_params = [{transform_indices = @transform_0, window_bounds = array<i64: 8192, 64>}, {transform_indices = @transform_1, window_bounds = array<i64: 8192, 64>}, {transform_indices = @transform_2, window_bounds = array<i64: 8192, 64>}]} {
    %get3A = arith.constant 0 : index
    %get3A_0 = arith.constant 0 : index
    %get3A_1 = vector.load %arg1[%get3A, %get3A_0] : memref<8192x64xf32, #tpu.memory_space<vmem>>, vector<8192x64xf32>
    %swap3A = arith.constant 0 : index
    %swap3A_2 = arith.constant 0 : index
    %swap3A_3 = vector.load %arg3[%swap3A, %swap3A_2] : memref<8192x64xf32, #tpu.memory_space<vmem>>, vector<8192x64xf32>
    tpu.vector_store %arg3[%swap3A, %swap3A_2], %get3A_1 {strides = array<i32>} : memref<8192x64xf32, #tpu.memory_space<vmem>>, vector<8192x64xf32>,
    return
  }
  func.func @transform_0(%arg0: i32) -> (i32, i32) {
    %c0_i32 = arith.constant 0 : i32
    %c0_i32_0 = arith.constant 0 : i32
    return %arg0, %c0_i32 : i32, i32
  }
  func.func @transform_1(%arg0: i32) -> (i32, i32) {
    %c0_i32 = arith.constant 0 : i32
    %c0_i32_0 = arith.constant 0 : i32
    return %arg0, %c0_i32 : i32, i32
  }
  func.func @transform_2(%arg0: i32) -> (i32, i32) {
    %c0_i32 = arith.constant 0 : i32
    %c0_i32_0 = arith.constant 0 : i32
    return %arg0, %c0_i32 : i32, i32
  }
}

</mosaic_0001>

<sc_bundles>
// kernel: kernel.4.cloned.1.call-start
scs
__scs_entry_jumppad:
0x0: {  	(pc) =	sbr.rel $0x88, $3  }
0x1: {  	(tag) =	ssettag $0x0;
	lr =	simm.s32 $0x1  }
0x2: {  	[smem:$0x3F9C] =	sst lr;
	_ =	strace $0xD0000000  }
0x3: {  	_ = 	snop  }
0x4: {  	_ = 	snop  }
0x5: {  	_ = 	snop  }
0x6: {  	_ = 	snop  }
0x7: {  	_ = 	snop  }
__scs_overlays_trampoline_lowered:
0x8: {  	[smem:$0x3FAB] =	sst s0  }
0x9: {  	[smem:$0x3FAC] =	sst s1  }
0xa: {  	[smem:$0x3FAD] =	sst s2  }
0xb: {  	[smem:$0x3FAE] =	sst s3  }
0xc: {  	[smem:$0x3FAF] =	sst s4  }
0xd: {  	[smem:$0x3FB0] =	sst s5  }
0xe: {  	[smem:$0x3FB1] =	sst s6  }
0xf: {  	[smem:$0x3FB2] =	sst s7  }
0x10: {  	[smem:$0x3FB3] =	sst s8  }
0x11: {  	[smem:$0x3FB4] =	sst s9;
	s0 =	simm.s32 @!p0 $0x0  }
0x12: {  	s1 =	sld [smem:$0x3F9A];
	s0 =	simm.s32 @p0 $0x1  }
0x13: {  	[smem:$0x3FB5] =	sst s0;
	s0 =	simm.s32 @!p1 $0x0  }
0x14: {  	s2 =	sld [smem:$0x3F99];
	s0 =	simm.s32 @p1 $0x1  }
0x15: {  	[smem:$0x3FB6] =	sst s0;
	s0 =	simm.s32 @!p2 $0x0  }
0x16: {  	s3 =	sld [smem:$0x3FDB];
	s0 =	simm.s32 @p2 $0x1  }
0x17: {  	s4 =	simm.s32 $0x1BF5;
	[smem:$0x3FB8] =	sst s0  }
0x18: {  	s0 =	sld [smem:$0x3F9B];
	_ =	swait.ge [sflag:s4], $0x0  }
0x19: {  	s7 =	sld [smem:$0x3F9C]  }
0x1a: {  	s8 =	sadd.s32 $0xFFFFE003, lr  }
0x1b: {  	s9 =	sadd.s32 $0xFFFFFEF7, lr;
	s5 =	simm.s32 $0xFFFFFFFF;
	p2 =	slt.u32 s8, $0xFFFFF086  }
0x1c: {  	p1 =	slt.u32 s9, $0xF7A;
	s5 =	simm.s32 @!p2 $0x0  }
0x1d: {  	s5 =	simm.s32 @p1 $0x1;
	p0 =	seq.s32 s7, s2  }
0x1e: {  	s7 =	smul.u32 @!p0 $0xF7A, s2;
	p2 =	seq.s32 @!p0 s5, $0x0  }
0x1f: {  	s9 =	smul.u32 $0xF7A, s1;
	s8 =	simm.s32 @!p0 $0x1BF5;
	p2 =	por !p2, p0  }
0x20: {  	[sflag:s8] =	ssyncset.s32 @!p0 $0xFFFFF086;
	s6 =	sadd.s32 @!p0 s3, s7;
	s7 =	simm.s32 @!p0 $0x108  }
0x21: {  	s3 =	sadd.s32 s3, s9;
	s6 =	sadd.s32 @!p0 $0x88, s6;
	s7 =	simm.s32 @p2 $0x1082  }
0x22: {  	[simem:s7], [sflag:s8] =	dma.local @!p0 [hbm:s6], $0xF7A  }
0x23: {  	s9 =	sor.u32 $0xD0000000, s2;
	s6 =	simm.s32 $0x108;
	_ =	swait.ge @!p0 [sflag:s8], $0x0  }
0x24: {  	s3 =	sadd.s32 $0x88, s3;
	s6 =	simm.s32 @!p1 $0x1082;
	[sflag:s4] =	ssyncset.s32 $0xFFFFF086  }
0x25: {  	[simem:s6], [sflag:s4] =	dma.local [hbm:s3], $0xF7A  }
0x26: {  	[smem:$0x3F9C] =	sst s1;
	(tag) =	ssettag s2;
	_ =	strace s9  }
0x27: {  	s1 =	sld [smem:$0x3FAC]  }
0x28: {  	s2 =	sld [smem:$0x3FAD]  }
0x29: {  	s4 =	sld [smem:$0x3FAF]  }
0x2a: {  	p0 =	seq.s32 s5, $0x0;
	s5 =	sld [smem:$0x3FB0]  }
0x2b: {  	s6 =	sld [smem:$0x3FB1]  }
0x2c: {  	s7 =	sld [smem:$0x3FB2]  }
0x2d: {  	s3 =	simm.s32 $0x108;
	s8 =	sld [smem:$0x3FB3]  }
0x2e: {  	s3 =	simm.s32 @!p0 $0x1082;
	s9 =	sld [smem:$0x3FB4]  }
0x2f: {  	lr =	sadd.s32 s0, s3;
	s0 =	sld [smem:$0x3FAB]  }
0x30: {  	s3 =	sld [smem:$0x3FAE]  }
0x31: {  	[smem:$0x3FB7] =	sst s10  }
0x32: {  	s10 =	sld [smem:$0x3FB5];
	_ =	sdelay $0x3  }
0x33: {  	p0 =	seq.s32 s10, $0x1;
	s10 =	sld [smem:$0x3FB7];
	_ =	sdelay $0x3  }
0x34: {  	[smem:$0x3FB7] =	sst s10  }
0x35: {  	s10 =	sld [smem:$0x3FB6];
	_ =	sdelay $0x3  }
0x36: {  	p1 =	seq.s32 s10, $0x1;
	s10 =	sld [smem:$0x3FB7];
	_ =	sdelay $0x3  }
0x37: {  	[smem:$0x3FB7] =	sst s10  }
0x38: {  	s10 =	sld [smem:$0x3FB8]  }
0x39: {  	_ = 	snop;
	(pc) =	sbr.ind lr, $3  }
0x3a: {  	_ = 	snop  }
0x3b: {  	_ = 	snop  }
0x3c: {  	p2 =	seq.s32 s10, $0x1;
	s10 =	sld [smem:$0x3FB7]  }
0x3d: {  	_ =	shalt  }
0x3e: {  	_ =	shalt  }
0x3f: {  	_ =	shalt  }
0x40: {  	_ =	shalt  }
0x41: {  	_ =	shalt  }
0x42: {  	_ =	shalt  }
0x43: {  	_ =	shalt  }
0x44: {  	_ =	shalt  }
0x45: {  	_ =	shalt  }
0x46: {  	_ =	shalt  }
0x47: {  	_ =	shalt  }
0x48: {  	_ =	shalt  }
0x49: {  	_ =	shalt  }
0x4a: {  	_ =	shalt  }
0x4b: {  	_ =	shalt  }
0x4c: {  	_ =	shalt  }
0x4d: {  	_ =	shalt  }
0x4e: {  	_ =	shalt  }
0x4f: {  	_ =	shalt  }
0x50: {  	_ =	shalt  }
0x51: {  	_ =	shalt  }
0x52: {  	_ =	shalt  }
0x53: {  	_ =	shalt  }
0x54: {  	_ =	shalt  }
0x55: {  	_ =	shalt  }
0x56: {  	_ =	shalt  }
0x57: {  	_ =	shalt  }
0x58: {  	_ =	shalt  }
0x59: {  	_ =	shalt  }
0x5a: {  	_ =	shalt  }
0x5b: {  	_ =	shalt  }
0x5c: {  	_ =	shalt  }
0x5d: {  	_ =	shalt  }
0x5e: {  	_ =	shalt  }
0x5f: {  	_ =	shalt  }
0x60: {  	_ =	shalt  }
0x61: {  	_ =	shalt  }
0x62: {  	_ =	shalt  }
0x63: {  	_ =	shalt  }
0x64: {  	_ =	shalt  }
0x65: {  	_ =	shalt  }
0x66: {  	_ =	shalt  }
0x67: {  	_ =	shalt  }
0x68: {  	_ =	shalt  }
0x69: {  	_ =	shalt  }
0x6a: {  	_ =	shalt  }
0x6b: {  	_ =	shalt  }
0x6c: {  	_ =	shalt  }
0x6d: {  	_ =	shalt  }
0x6e: {  	_ =	shalt  }
0x6f: {  	_ =	shalt  }
0x70: {  	_ =	shalt  }
0x71: {  	_ =	shalt  }
0x72: {  	_ =	shalt  }
0x73: {  	_ =	shalt  }
0x74: {  	_ =	shalt  }
0x75: {  	_ =	shalt  }
0x76: {  	_ =	shalt  }
0x77: {  	_ =	shalt  }
0x78: {  	_ =	shalt  }
0x79: {  	_ =	shalt  }
0x7a: {  	_ =	shalt  }
0x7b: {  	_ =	shalt  }
0x7c: {  	_ =	shalt  }
0x7d: {  	_ =	shalt  }
0x7e: {  	_ =	shalt  }
0x7f: {  	_ =	shalt  }
0x80: {  	_ =	shalt  }
0x81: {  	_ =	shalt  }
0x82: {  	_ =	shalt  }
0x83: {  	_ =	shalt  }
0x84: {  	_ =	shalt  }
0x85: {  	_ =	shalt  }
0x86: {  	_ =	shalt  }
0x87: {  	_ =	shalt  }
.Lfunc_end0:
.L_simem_size_0:
called_computation_lowered:
.L_overlay_start_0:
0x88: {  	s2 =	sld [smem:$0x3FD9]  }
0x89: {  	s3 =	sld [smem:$0x3FFE];
	_ =	sdelay $0x1  }
0x8a: {  	s1 =	srdreg.scid  }
0x8b: {  	s0 =	sand.u32 $0x1, s1  }
0x8c: {  	s14 =	sshll.u32 s0, $0xA;
	s2 =	sadd.s32 s3, s2  }
0x8d: {  	s2 =	sadd.s32 s2, s14  }
0x8e: {  	[smem:$0x3FC3] =	sst s2  }
0x8f: {  	_ = 	snop  }
0x90: {  	s2 =	sld [smem:$0x3FD0];
	_ =	sdelay $0x1  }
0x91: {  	s15 =	sld [smem:$0x3FC8]  }
0x92: {  	s5 =	simm.s32 $0xA;
	s6 =	simm.s32 $0x10;
	s4 =	sld [smem:$0x3FC6]  }
0x93: {  	[smem:s6], [sflag:s5] =	dma.local [hbm:s2], $0x1  }
0x94: {  	_ =	swait.eq [sflag:s5], $0x1  }
0x95: {  	[sflag:s5] =	ssyncset.done $0x0  }
0x96: {  	s16 =	sld [smem:$0x11];
	[sflag:s5] =	ssyncadd.s32 $0xFFFFFFFF  }
0x97: {  	s17 =	sld [smem:$0x12];
	(tm) =	ssettm $0x1  }
0x98: {  	s18 =	sld [smem:$0x3FFB];
	_ =	sdelay $0x3  }
0x99: {  	_ =	strace s18  }
0x9a: {  	s6 =	sld [smem:$0x3FFC];
	_ =	sdelay $0x3  }
0x9b: {  	_ =	strace s6  }
0x9c: {  	s6 =	sld [smem:$0x3FFD];
	_ =	sdelay $0x3  }
0x9d: {  	_ =	strace s6  }
0x9e: {  	_ =	strace $0x8FFFFFFF  }
0x9f: {  	s19 =	sld [smem:$0x3FDB];
	_ =	sdelay $0x1  }
0xa0: {  	s7 =	simm.s32 $_scs_section_size  }
0xa1: {  	s8 =	simm.s32 $_size__tile_overlayer_lowered;
	s9 =	simm.s32 $_tile_overlayer_lowered  }
0xa2: {  	s22 =	simm.s32 $0x1BFF;
	s21 =	sshll.u32 s9, $0x1;
	s6 =	sadd.s32 s7, s19  }
0xa3: {  	s10 =	simm.s32 $0x0;
	s20 =	sshll.u32 s8, $0x1;
	s8 =	sadd.s32 s21, s6  }
0xa4: {  	[timem:s10], [sflag:s22] =	dma.local [hbm:s8], s20  }
0xa5: {  	_ =	swait.ge [sflag:s22], s20  }
0xa6: {  	s7 =	ssub.s32 $0x0, s20;
	[sflag:s22] =	ssyncset.done $0x0  }
0xa7: {  	[sflag:s22] =	ssyncadd.s32 s7;
	_ =	sdelay $0x1  }
0xa8: {  	s23 =	simm.s32 $0x1B8B  }
0xa9: {  	_ =	swait.ge [sflag:s23], $0x1  }
0xaa: {  	[sflag:s23] =	ssyncset.done $0x0  }
0xab: {  	s25 =	simm.s32 $0x1B8E;
	s24 =	sld [smem:$0x3FFE];
	[sflag:s23] =	ssyncadd.s32 $0xFFFFFFFF  }
0xac: {  	s26 =	simm.s32 $execute0_lowered;
	[smem:$0x3FD2] =	sst s25  }
0xad: {  	s8 =	sshll.u32 s26, $0x1;
	_ =	strace $0x80000046;
	[dreg:$0x1] =	wrdreg $0xFFFFFFFF  }
0xae: {  	s28 =	simm.s32 $_size_execute0_lowered;
	s6 =	sadd.s32 s6, s8;
	[dreg:$0x0] =	wrdreg $0x0  }
0xaf: {  	s8 =	sshll.u32 s28, $0x1;
	[dreg:$0x2] =	wrdreg s6  }
0xb0: {  	[dreg:$0x3] =	wrdreg s8  }
0xb1: {  	[dreg:$0x4] =	wrdreg $0xC0  }
0xb2: {  	_ =	task [dreg:s10], $0x5FFFF  }
0xb3: {  	[dreg:$0x1] =	wrdreg $0xFFFFFFFF  }
0xb4: {  	[dreg:$0x0] =	wrdreg $0x60  }
0xb5: {  	[dreg:$0x2] =	wrdreg s15  }
0xb6: {  	[dreg:$0x3] =	wrdreg s17  }
0xb7: {  	[dreg:$0x4] =	wrdreg s4  }
0xb8: {  	[dreg:$0x5] =	wrdreg s24  }
0xb9: {  	[dreg:$0x6] =	wrdreg s16  }
0xba: {  	[dreg:$0x7] =	wrdreg $0x9  }
0xbb: {  	_ =	task.clear_ibuf [dreg:s10], $0x8FFFF;
	_ =	strace $0x90000046  }
0xbc: {  	s29 =	simm.s32 $0x9;
	_ =	strace $0x80000048  }
0xbd: {  	_ =	swait.ge [sflag:s29], $0x1  }
0xbe: {  	[sflag:s29] =	ssyncadd.s32 $0xFFFFFFFF  }
0xbf: {  	_ =	strace $0x90000048  }
0xc0: {  	_ =	sfence  }
0xc1: {  	s30 =	sld [smem:$0x0];
	_ =	sdelay $0x2  }
0xc2: {  	s31 =	sshll.u32 s1, $0xD;
	s1 =	sshrl.u32 s1, $0x2  }
0xc3: {  	s3 =	sand.u32 $0x4000, s31;
	s1 =	sadd.s32 s1, s30  }
0xc4: {  	s0 =	sor.u32 s3, s0;
	s1 =	sshll.u32 s1, $0x11  }
0xc5: {  	s0 =	sor.u32 s1, s0  }
0xc6: {  	s0 =	sadd.s32 $0x8F2B, s0  }
0xc7: {  	[sflag:s0] =	ssyncadd.remote.s32 $0x1  }
0xc8: {  	_ =	sfence.sel $0xFFFF  }
0xc9: {  	[dreg:$0x0] =	wrdreg $0xFFFFFFFF;
	(pc) =	sbr.abs _section_cstart, $3  }
0xca: {  	[dreg:$0x1] =	wrdreg $0xFFFFFFFF  }
0xcb: {  	_ =	task.clear_ibuf [dreg:s10], $0x2FFFF;
	_ =	strace $0x9FFFFFFF  }
0xcc: {  	(tm) =	ssettm $0x7FFFFFFF  }
0xcd: {  	_ =	shalt  }
tec
execute0_lowered:
.L_overlay_start_1:
0x0: {  	(tag) =	ssettag $0x1  }
0x1: {  	s3 =	rddreg [dreg:$0x0]  }
0x2: {  	s7 =	rddreg [dreg:$0x1]  }
0x3: {  	s17 =	rddreg [dreg:$0x2]  }
0x4: {  	s21 =	rddreg [dreg:$0x3]  }
0x5: {  	s4 =	srdreg.scid;
	s1 =	stileid.u32  }
0x6: {  	s20 =	rddreg [dreg:$0x4];
	s22 =	sand.u32 $0x1, s4;
	s31 =	sshll.u32 s1, $0x1  }
0x7: {  	s0 =	rddreg [dreg:$0x5];
	s2 =	simm.s32 $0x0;
	s16 =	sor.u32 s22, s31  }
0x8: {  	s5 =	simm.s32 $0x1;
	[smem:$0x7FF] =	sst s2;
	s9 =	sshll.u32 s16, $0x6  }
0x9: {  	s4 =	simm.s32 $0xF100;
	_ =	strace $0x80000047;
	s3 =	sadd.s32 s3, s9  }
0xa: {  	[tilespmem:s4], [sflag:$0x1] =	stream.linear.gather [hbm4b:s3+s2], $0x200, $0x38;
	[tilespmem:$0xF500] =	vst v63  }
0xb: {  	_ =	swait.ge [sflag:s5], $0x200  }
0xc: {  	[sflag:s5] =	ssyncset.done $0x0  }
0xd: {  	s6 =	sadd.s32 s20, s9;
	[sflag:s5] =	ssyncadd.s32 $0xFFFFFE00  }
0xe: {  	[hbm4b:s6+s2] =	stream.linear.scatter [tilespmem:s4], [sflag:$0x1], $0x200, $0x38;
	[tilespmem:$0xF500] =	vst v63  }
0xf: {  	_ =	swait.ge [sflag:s5], $0x200  }
0x10: {  	[sflag:s5] =	ssyncset.done $0x0  }
0x11: {  	s8 =	simm.s32 $0xF300;
	s7 =	sadd.s32 s7, s9;
	[sflag:s5] =	ssyncadd.s32 $0xFFFFFE00  }
0x12: {  	[tilespmem:s8], [sflag:$0x1] =	stream.linear.gather [hbm4b:s7+s2], $0x200, $0x38;
	[tilespmem:$0xF500] =	vst v63  }
0x13: {  	_ =	swait.ge [sflag:s5], $0x200  }
0x14: {  	s23 =	sadd.s32 $0x1F600, s21;
	[sflag:s5] =	ssyncset.done $0x0  }
0x15: {  	s9 =	sadd.s32 s23, s9;
	[sflag:s5] =	ssyncadd.s32 $0xFFFFFE00  }
0x16: {  	[hbm4b:s9+s2] =	stream.linear.scatter [tilespmem:s8], [sflag:$0x1], $0x200, $0x38;
	[tilespmem:$0xF500] =	vst v63  }
0x17: {  	_ =	swait.ge [sflag:s5], $0x200  }
0x18: {  	s10 =	sadd.s32 $0x1D95D, s17;
	p0 =	seq.s32 s16, $0x1F;
	[sflag:s5] =	ssyncset.done $0x0  }
0x19: {  	s11 =	simm.s32 @p0 $0x0;
	s12 =	simm.s32 @p0 $0x1;
	[sflag:s5] =	ssyncadd.s32 $0xFFFFFE00  }
0x1a: {  	[tilespmem:s11], [sflag:$0x1] =	stream.linear.gather @p0 [hbm4b:s10+s11], $0x7758, $0x38;
	[tilespmem:$0xF500] =	vst v63  }
0x1b: {  	_ =	swait.ge @p0 [sflag:s12], $0x7758  }
0x1c: {  	[sflag:s12] =	ssyncset.done @p0 $0x0  }
0x1d: {  	s13 =	sadd.s32 $0x1D95D, s20;
	[sflag:s12] =	ssyncadd.s32 @p0 $0xFFFF88A8  }
0x1e: {  	[hbm4b:s13+s11] =	stream.linear.scatter @p0 [tilespmem:s11], [sflag:$0x1], $0x7758, $0x38;
	[tilespmem:$0xF500] =	vst v63  }
0x1f: {  	_ =	swait.ge @p0 [sflag:s12], $0x7758  }
0x20: {  	[sflag:s12] =	ssyncset.done @p0 $0x0  }
0x21: {  	s14 =	sadd.s32 $0x1E55D, s21;
	s15 =	simm.s32 @p0 $0x7880;
	[sflag:s12] =	ssyncadd.s32 @p0 $0xFFFF88A8  }
0x22: {  	[tilespmem:s15], [sflag:$0x1] =	stream.linear.gather @p0 [hbm4b:s14+s11], $0x7758, $0x38;
	[tilespmem:$0xF500] =	vst v63  }
0x23: {  	s16 =	smul.u32 $0x7818, s16;
	_ =	swait.ge @p0 [sflag:s12], $0x7758  }
0x24: {  	[sflag:s12] =	ssyncset.done @p0 $0x0  }
0x25: {  	s18 =	sshrl.u32 s16, $0x3;
	s16 =	sadd.s32 $0x3CF5D, s21;
	[sflag:s12] =	ssyncadd.s32 @p0 $0xFFFF88A8  }
0x26: {  	[hbm4b:s16+s11] =	stream.linear.scatter @p0 [tilespmem:s15], [sflag:$0x1], $0x7758, $0x38;
	[tilespmem:$0xF500] =	vst v63  }
0x27: {  	_ =	swait.ge @p0 [sflag:s12], $0x7758  }
0x28: {  	s19 =	simm.s32 @!p0 $0x0;
	s24 =	sadd.s32 $0x800, s18;
	[sflag:s12] =	ssyncset.done @p0 $0x0  }
0x29: {  	s18 =	sadd.s32 s17, s24;
	s17 =	simm.s32 @!p0 $0x1;
	[sflag:s12] =	ssyncadd.s32 @p0 $0xFFFF88A8  }
0x2a: {  	[tilespmem:s19], [sflag:$0x1] =	stream.linear.gather @!p0 [hbm4b:s18+s19], $0x7818, $0x38;
	[tilespmem:$0xF500] =	vst v63  }
0x2b: {  	s25 =	ssub.s32 $0x2, s22;
	_ =	swait.ge @!p0 [sflag:s17], $0x7818  }
0x2c: {  	s26 =	sshrl.u32 s25, $0x1;
	[sflag:s17] =	ssyncset.done @!p0 $0x0  }
0x2d: {  	s25 =	ssub.s32 s25, s26;
	s20 =	sadd.s32 s20, s24;
	[sflag:s17] =	ssyncadd.s32 @!p0 $0xFFFF87E8  }
0x2e: {  	[hbm4b:s20+s19] =	stream.linear.scatter @!p0 [tilespmem:s19], [sflag:$0x1], $0x7818, $0x38;
	[tilespmem:$0xF500] =	vst v63  }
0x2f: {  	s22 =	simm.s32 @!p0 $0x7880;
	s25 =	smax.u32 s25, $0x1;
	_ =	swait.ge @!p0 [sflag:s17], $0x7818  }
0x30: {  	s21 =	sadd.s32 s24, s21;
	s23 =	sadd.s32 s23, s24;
	[sflag:s17] =	ssyncset.done @!p0 $0x0  }
0x31: {  	s24 =	sadd.s32 $0xFFFFFFFF, s25;
	s21 =	sadd.s32 $0xC00, s21;
	[sflag:s17] =	ssyncadd.s32 @!p0 $0xFFFF87E8  }
0x32: {  	[tilespmem:s22], [sflag:$0x1] =	stream.linear.gather @!p0 [hbm4b:s21+s19], $0x7818, $0x38;
	[tilespmem:$0xF500] =	vst v63  }
0x33: {  	p1 =	sne.s32 s24, $0x0;
	_ =	swait.ge @!p0 [sflag:s17], $0x7818  }
.Ltmp0:
0x34: {  	[sflag:s17] =	ssyncset.done @!p0 $0x0;
	(pc) =	sbr.rel @!p1 .LBB2_2-.Ltmp0, $4  }
0x35: {  	[sflag:s17] =	ssyncadd.s32 @!p0 $0xFFFF87E8  }
0x36: {  	[hbm4b:s23+s19] =	stream.linear.scatter @!p0 [tilespmem:s22], [sflag:$0x1], $0x7818, $0x38;
	[tilespmem:$0xF500] =	vst v63  }
0x37: {  	_ =	swait.ge @!p0 [sflag:s17], $0x7818  }
0x38: {  	[sflag:s17] =	ssyncset.done @!p0 $0x0  }
.LBB2_1:
0x39: {  	s24 =	sadd.s32 $0xFFFFFFFF, s24;
	[sflag:s17] =	ssyncadd.s32 @!p0 $0xFFFF87E8  }
0x3a: {  	[tilespmem:s4], [sflag:$0x1] =	stream.linear.gather [hbm4b:s3+s2], $0x200, $0x38;
	[tilespmem:$0xF500] =	vst v63  }
0x3b: {  	p1 =	sne.s32 s24, $0x0;
	_ =	swait.ge [sflag:s5], $0x200  }
0x3c: {  	[sflag:s5] =	ssyncset.done $0x0  }
0x3d: {  	[sflag:s5] =	ssyncadd.s32 $0xFFFFFE00  }
0x3e: {  	[hbm4b:s6+s2] =	stream.linear.scatter [tilespmem:s4], [sflag:$0x1], $0x200, $0x38;
	[tilespmem:$0xF500] =	vst v63  }
0x3f: {  	_ =	swait.ge [sflag:s5], $0x200  }
0x40: {  	[sflag:s5] =	ssyncset.done $0x0  }
0x41: {  	[sflag:s5] =	ssyncadd.s32 $0xFFFFFE00  }
0x42: {  	[tilespmem:s8], [sflag:$0x1] =	stream.linear.gather [hbm4b:s7+s2], $0x200, $0x38;
	[tilespmem:$0xF500] =	vst v63  }
0x43: {  	_ =	swait.ge [sflag:s5], $0x200  }
0x44: {  	[sflag:s5] =	ssyncset.done $0x0  }
0x45: {  	[sflag:s5] =	ssyncadd.s32 $0xFFFFFE00  }
0x46: {  	[hbm4b:s9+s2] =	stream.linear.scatter [tilespmem:s8], [sflag:$0x1], $0x200, $0x38;
	[tilespmem:$0xF500] =	vst v63  }
0x47: {  	_ =	swait.ge [sflag:s5], $0x200  }
0x48: {  	[sflag:s5] =	ssyncset.done $0x0  }
0x49: {  	[sflag:s5] =	ssyncadd.s32 $0xFFFFFE00  }
0x4a: {  	[tilespmem:s11], [sflag:$0x1] =	stream.linear.gather @p0 [hbm4b:s10+s11], $0x7758, $0x38;
	[tilespmem:$0xF500] =	vst v63  }
0x4b: {  	_ =	swait.ge @p0 [sflag:s12], $0x7758  }
0x4c: {  	[sflag:s12] =	ssyncset.done @p0 $0x0  }
0x4d: {  	[sflag:s12] =	ssyncadd.s32 @p0 $0xFFFF88A8  }
0x4e: {  	[hbm4b:s13+s11] =	stream.linear.scatter @p0 [tilespmem:s11], [sflag:$0x1], $0x7758, $0x38;
	[tilespmem:$0xF500] =	vst v63  }
0x4f: {  	_ =	swait.ge @p0 [sflag:s12], $0x7758  }
0x50: {  	[sflag:s12] =	ssyncset.done @p0 $0x0  }
0x51: {  	[sflag:s12] =	ssyncadd.s32 @p0 $0xFFFF88A8  }
0x52: {  	[tilespmem:s15], [sflag:$0x1] =	stream.linear.gather @p0 [hbm4b:s14+s11], $0x7758, $0x38;
	[tilespmem:$0xF500] =	vst v63  }
0x53: {  	_ =	swait.ge @p0 [sflag:s12], $0x7758  }
0x54: {  	[sflag:s12] =	ssyncset.done @p0 $0x0  }
0x55: {  	[sflag:s12] =	ssyncadd.s32 @p0 $0xFFFF88A8  }
0x56: {  	[hbm4b:s16+s11] =	stream.linear.scatter @p0 [tilespmem:s15], [sflag:$0x1], $0x7758, $0x38;
	[tilespmem:$0xF500] =	vst v63  }
0x57: {  	_ =	swait.ge @p0 [sflag:s12], $0x7758  }
0x58: {  	[sflag:s12] =	ssyncset.done @p0 $0x0  }
0x59: {  	[sflag:s12] =	ssyncadd.s32 @p0 $0xFFFF88A8  }
0x5a: {  	[tilespmem:s19], [sflag:$0x1] =	stream.linear.gather @!p0 [hbm4b:s18+s19], $0x7818, $0x38;
	[tilespmem:$0xF500] =	vst v63  }
0x5b: {  	_ =	swait.ge @!p0 [sflag:s17], $0x7818  }
0x5c: {  	[sflag:s17] =	ssyncset.done @!p0 $0x0  }
0x5d: {  	[sflag:s17] =	ssyncadd.s32 @!p0 $0xFFFF87E8  }
0x5e: {  	[hbm4b:s20+s19] =	stream.linear.scatter @!p0 [tilespmem:s19], [sflag:$0x1], $0x7818, $0x38;
	[tilespmem:$0xF500] =	vst v63  }
0x5f: {  	_ =	swait.ge @!p0 [sflag:s17], $0x7818  }
0x60: {  	[sflag:s17] =	ssyncset.done @!p0 $0x0  }
0x61: {  	[sflag:s17] =	ssyncadd.s32 @!p0 $0xFFFF87E8  }
0x62: {  	[tilespmem:s22], [sflag:$0x1] =	stream.linear.gather @!p0 [hbm4b:s21+s19], $0x7818, $0x38;
	[tilespmem:$0xF500] =	vst v63  }
0x63: {  	_ =	swait.ge @!p0 [sflag:s17], $0x7818  }
.Ltmp1:
0x64: {  	[sflag:s17] =	ssyncset.done @!p0 $0x0;
	(pc) =	sbr.rel @p1 .LBB2_1-.Ltmp1, $4  }
0x65: {  	[sflag:s17] =	ssyncadd.s32 @!p0 $0xFFFF87E8  }
0x66: {  	[hbm4b:s23+s19] =	stream.linear.scatter @!p0 [tilespmem:s22], [sflag:$0x1], $0x7818, $0x38;
	[tilespmem:$0xF500] =	vst v63  }
0x67: {  	_ =	swait.ge @!p0 [sflag:s17], $0x7818  }
0x68: {  	[sflag:s17] =	ssyncset.done @!p0 $0x0  }
.LBB2_2:
0x69: {  	[sflag:s17] =	ssyncadd.s32 @!p0 $0xFFFF87E8  }
0x6a: {  	_ =	sfence.sel $0x180000  }
0x6b: {  	[bflag:$0x0] =	sbarrier.arrive $0xFFFF  }
0x6c: {  	p0 =	sne.s32 s1, $0x0;
	_ =	strace $0x90000047  }
0x6d: {  	s0 =	sadd.s32 @!p0 $0x100000, s0;
	[bflag:$0x2] =	sbarrier.arrive $0xFFFF  }
0x6e: {  	[sflag:s0] =	ssyncadd.tile.s32 @!p0 $0x1;
	_ =	shalt  }
.Lfunc_end2:
_tile_overlayer_lowered:
.L_overlay_start_2:
0x6f: {  	(tag) =	ssettag $0x2  }
0x70: {  	s0 =	rddreg [dreg:$0x0];
	s2 =	stileid.u32  }
0x71: {  	s1 =	rddreg [dreg:$0x1];
	p0 =	sne.s32 s2, $0x0  }
0x72: {  	s3 =	rddreg [dreg:$0x2];
	[bflag:$0x3] =	sbarrier.arrive $0xFFFF;
	s2 =	simm.s32 @!p0 $0x1C01  }
0x73: {  	[timem:s3], [sflag:s2] =	dma.local @!p0 [hbm:s0], s1  }
0x74: {  	s0 =	simm.s32 @!p0 $0x1  }
0x75: {  	_ =	swait.ge @!p0 [sflag:s0], s1  }
0x76: {  	s1 =	ssub.s32 @!p0 $0x0, s1;
	[sflag:s0] =	ssyncset.done @!p0 $0x0  }
0x77: {  	[sflag:s0] =	ssyncadd.s32 @!p0 s1  }
0x78: {  	[bflag:$0x3] =	sbarrier.arrive $0xFFFF  }
0x79: {  	_ =	shalt  }

</sc_bundles>
